<compile_context>
chip_gen: v7x
topology: tpu7x:2x2x1
jax: 0.10.2.dev20260603
libtpu: 0.0.44.dev20260713+nightly
codegen_flags: <defaults>
</compile_context>

<pallas_src>
import functools

import jax
import jax.numpy as jnp
from jax import lax
from jax.experimental import pallas as pl
from jax.experimental.pallas import tpu as pltpu
from jax.experimental.pallas import tpu_sc as plsc

N = 160000
E = 256
H = 512
K = 1000
BLK = 1600
NB = N // BLK

NW = 32
PERW = N // NW
PERW_PAD = ((PERW + 15) // 16) * 16


def _silu(v):
    return v * (0.5 * jnp.tanh(0.5 * v) + 0.5)


def _silu_half(m):
    return m * (jnp.tanh(m) + 1.0)


GW = 128
KPAD = 1152


def _mlp_segsum_kernel(x_ref, lab_ref, w1_ref, b1_ref, w2_ref, b2_ref,
                       w3_ref, b3_ref, wmu_ref, bmu_ref, wlv_ref, blv_ref,
                       eps_ref, mu_ref, lv_ref, tau_ref,
                       sums_ref, cnts_ref):
    xb = x_ref[...].astype(jnp.bfloat16)
    z1 = jax.lax.dot_general(xb, w1_ref[...], (((1,), (1,)), ((), ())),
                             preferred_element_type=jnp.float32)
    z1 = _silu_half(z1 + b1_ref[...]).astype(jnp.bfloat16)
    z2 = jax.lax.dot_general(z1, w2_ref[...], (((1,), (1,)), ((), ())),
                             preferred_element_type=jnp.float32)
    z2 = _silu_half(z2 + b2_ref[...]).astype(jnp.bfloat16)

    @pl.when(pl.program_id(0) == 0)
    def _():
        sums_ref[...] = jnp.zeros((KPAD, H), jnp.float32)
        cnts_ref[...] = jnp.zeros((KPAD, 1), jnp.float32)

    lab = lab_ref[0]
    lo = (lab[0, 0] // 8) * 8
    hi = lab[0, BLK - 1]
    nwin = (hi - lo) // GW + 1

    def win(w, _):
        base_g = lo + w * GW
        gid = base_g + jax.lax.broadcasted_iota(jnp.int32, (GW, BLK), 0)
        oh = (gid == lab).astype(jnp.bfloat16)
        partial = jax.lax.dot_general(oh, z2, (((1,), (0,)), ((), ())),
                                      preferred_element_type=jnp.float32)
        cnt = jnp.sum(oh.astype(jnp.float32), axis=1, keepdims=True)
        sums_ref[pl.ds(base_g, GW), :] += partial
        cnts_ref[pl.ds(base_g, GW), :] += cnt
        return _

    lax.fori_loop(0, nwin, win, None)

    @pl.when(pl.program_id(0) == NB - 1)
    def _():
        gf = sums_ref[:K] / cnts_ref[:K]
        h = jax.lax.dot_general(gf, w3_ref[...], (((1,), (1,)), ((), ())),
                                preferred_element_type=jnp.float32)
        h = _silu(h + b3_ref[...])
        mu = jnp.sum(h * wmu_ref[...], axis=1, keepdims=True) + bmu_ref[...]
        lv = jnp.sum(h * wlv_ref[...], axis=1, keepdims=True) + blv_ref[...]
        lv = jnp.clip(lv, -10.0, 4.0)
        std = jnp.exp(0.5 * lv)
        mu_ref[...] = mu
        lv_ref[...] = lv
        tau_ref[...] = jnp.exp(mu + std * eps_ref[...])


def _sc_gather_kernel(lab_hbm, tau_hbm, out_hbm, idx_v, tau_v, out_v):
    nc = plsc.get_sparse_core_info().num_cores
    wid = lax.axis_index("s") * nc + lax.axis_index("c")
    base = wid * PERW
    pltpu.sync_copy(lab_hbm.at[pl.ds(base, PERW)], idx_v.at[pl.ds(0, PERW)])
    pltpu.sync_copy(tau_hbm, tau_v)

    def body(i, _):
        off = i * 16
        iv = idx_v[pl.ds(off, 16)]
        iv = jnp.clip(iv, 0, K - 1)
        out_v[pl.ds(off, 16)] = plsc.load_gather(tau_v, [iv])
        return _

    lax.fori_loop(0, PERW_PAD // 16, body, None)
    pltpu.sync_copy(out_v.at[pl.ds(0, PERW)], out_hbm.at[pl.ds(base, PERW)])


def _make_gather_call():
    return functools.partial(
        pl.kernel,
        mesh=plsc.VectorSubcoreMesh(core_axis_name="c", subcore_axis_name="s"),
        out_type=jax.ShapeDtypeStruct((N,), jnp.float32),
        scratch_types=[
            pltpu.VMEM((PERW_PAD,), jnp.int32),
            pltpu.VMEM((K,), jnp.float32),
            pltpu.VMEM((PERW_PAD,), jnp.float32),
        ],
        compiler_params=pltpu.CompilerParams(needs_layout_passes=False),
    )(_sc_gather_kernel)


def kernel(x, group_labels, W1, b1, W2, b2, W3, b3, Wmu, bmu, Wlv, blv):
    lab3 = group_labels.reshape(NB, 1, BLK)
    eps = jax.random.normal(jax.random.key(1234), (K, 1), dtype=jnp.float32)

    cparam = pl.BlockSpec((1, H), lambda i: (0, 0))
    mu2, lv2, tau2 = pl.pallas_call(
        _mlp_segsum_kernel,
        grid=(NB,),
        in_specs=[
            pl.BlockSpec((BLK, E), lambda i: (i, 0)),
            pl.BlockSpec((1, 1, BLK), lambda i: (i, 0, 0)),
            pl.BlockSpec((H, E), lambda i: (0, 0)),
            cparam,
            pl.BlockSpec((H, H), lambda i: (0, 0)),
            cparam,
            pl.BlockSpec((H, H), lambda i: (0, 0)),
            cparam,
            cparam,
            pl.BlockSpec((1, 1), lambda i: (0, 0)),
            cparam,
            pl.BlockSpec((1, 1), lambda i: (0, 0)),
            pl.BlockSpec((K, 1), lambda i: (0, 0)),
        ],
        out_specs=[
            pl.BlockSpec((K, 1), lambda i: (0, 0)),
            pl.BlockSpec((K, 1), lambda i: (0, 0)),
            pl.BlockSpec((K, 1), lambda i: (0, 0)),
        ],
        out_shape=[
            jax.ShapeDtypeStruct((K, 1), jnp.float32),
            jax.ShapeDtypeStruct((K, 1), jnp.float32),
            jax.ShapeDtypeStruct((K, 1), jnp.float32),
        ],
        scratch_shapes=[
            pltpu.VMEM((KPAD, H), jnp.float32),
            pltpu.VMEM((KPAD, 1), jnp.float32),
        ],
        compiler_params=pltpu.CompilerParams(
            dimension_semantics=("arbitrary",)),
    )(x, lab3, (0.5 * W1).astype(jnp.bfloat16),
      (0.5 * b1).reshape(1, H),
      (0.5 * W2).astype(jnp.bfloat16), (0.5 * b2).reshape(1, H),
      W3, b3.reshape(1, H),
      Wmu, bmu.reshape(1, 1), Wlv, blv.reshape(1, 1), eps)

    tpr = _make_gather_call()(group_labels, tau2.reshape(K))

    return (mu2[:, 0], lv2[:, 0], tpr.reshape(N, 1))

# --- scband reference (transcript-rebuilt; emitter-appended) ---
"""Pipeline reference for scband-group-encoder-87179246174307 (READ-ONLY COPY).

The authoritative reference and input builder live on the scoring server;
editing this copy changes nothing except your own understanding.
"""

import jax, jax.numpy as jnp
import numpy as np

N = 160000
ENCODER_OUT = 256
HIDDEN = 512
K = 1000
LOG_TAU_INIT = -6.9


def _linear_init(key, fan_in, fan_out):
    w = jax.random.normal(key, (fan_out, fan_in), dtype=jnp.float32) * (1.0 / np.sqrt(fan_in))
    b = jnp.zeros((fan_out,), dtype=jnp.float32)
    return w, b


def setup_inputs(seed: int = 0) -> dict:
    key = jax.random.key(seed)
    ks = jax.random.split(key, 8)
    x = jax.random.normal(ks[0], (N, ENCODER_OUT), dtype=jnp.float32)
    # sorted random group labels; prepend arange(K) to guarantee every group is present
    base = jax.random.randint(ks[1], (N - K,), 0, K, dtype=jnp.int32)
    group_labels = jnp.sort(jnp.concatenate([jnp.arange(K, dtype=jnp.int32), base]))
    W1, b1 = _linear_init(ks[2], ENCODER_OUT, HIDDEN)
    W2, b2 = _linear_init(ks[3], HIDDEN, HIDDEN)
    W3, b3 = _linear_init(ks[4], HIDDEN, HIDDEN)
    Wmu = jnp.zeros((1, HIDDEN), dtype=jnp.float32)
    bmu = jnp.full((1,), LOG_TAU_INIT, dtype=jnp.float32)
    Wlv = jnp.zeros((1, HIDDEN), dtype=jnp.float32)
    blv = jnp.full((1,), -2.0, dtype=jnp.float32)
    return {"x": x, "group_labels": group_labels, "W1": W1, "b1": b1, "W2": W2, "b2": b2,
            "W3": W3, "b3": b3, "Wmu": Wmu, "bmu": bmu, "Wlv": Wlv, "blv": blv}


def reference(x, group_labels, W1, b1, W2, b2, W3, b3, Wmu, bmu, Wlv, blv):
    silu = jax.nn.silu
    # phi: per-reflection MLP
    z = silu(x @ W1.T + b1)
    z = silu(z @ W2.T + b2)
    # segment mean over unique groups (torch.unique + boolean-mask mean)
    uniq = jnp.unique(group_labels, size=K)
    num = uniq.shape[0]
    idx = jnp.searchsorted(uniq, group_labels)
    sums = jax.ops.segment_sum(z, idx, num_segments=num)
    counts = jax.ops.segment_sum(jnp.ones((z.shape[0],), dtype=z.dtype), idx, num_segments=num)
    group_features = sums / counts[:, None]
    # rho + heads
    h = silu(group_features @ W3.T + b3)
    mu = (h @ Wmu.T + bmu)[:, 0]
    logvar = jnp.clip((h @ Wlv.T + blv)[:, 0], -10.0, 4.0)
    std = jnp.exp(0.5 * logvar)
    eps = jax.random.normal(jax.random.key(1234), std.shape, dtype=std.dtype)
    log_tau = mu + std * eps
    tau_group = jnp.exp(log_tau)
    tau_per_refl = tau_group[idx][:, None]
    return (mu, logvar, tau_per_refl)

if __name__ == "__main__":
    import jax
    _d = setup_inputs()
    print(jax.jit(kernel)(*tuple(_d.values())))

</pallas_src>

<mosaic_0001>
#map = affine_map<(d0, d1) -> (0)>
module attributes {stable_mosaic.version = 14 : i64} {
  func.func @_sc_gather_kernel(%arg0: i32, %arg1: i32, %arg2: memref<160000xi32, #tpu.memory_space<hbm>>, %arg3: memref<1000xf32, #tpu.memory_space<hbm>>, %arg4: memref<160000xf32, #tpu.memory_space<hbm>>, %arg5: memref<5008xi32, #tpu.memory_space<vmem>>, %arg6: memref<1000xf32, #tpu.memory_space<vmem>>, %arg7: memref<5008xf32, #tpu.memory_space<vmem>>) attributes {dimension_semantics = [#tpu.dimension_semantics<core_parallel>, #tpu.dimension_semantics<subcore_parallel>], iteration_bounds = array<i64: 2, 16>, scalar_prefetch = 0 : i64, scratch_operands = 3 : i64, tpu.core_type = #tpu.core_type<sc_vector_subcore>, window_params = [{transform_indices = #map}, {transform_indices = #map}, {transform_indices = #map}]} {
    %mul3A = arith.constant 2 : i32
    %mul3A_0 = arith.muli %arg1, %mul3A : i32
    %add3A = arith.addi %mul3A_0, %arg0 : i32
    %mul3A_1 = arith.constant 5000 : i32
    %mul3A_2 = arith.muli %add3A, %mul3A_1 : i32
    "tpu.region"() ({
      %run_scoped3A = tpu.sem_alloc : memref<!tpu.dma_semaphore, #tpu.memory_space<semaphore_mem>>
      %dma_start3A = arith.constant 0 : i32
      %dma_start3A_7 = tpu.memref_slice %arg5[%dma_start3A] : memref<5008xi32, #tpu.memory_space<vmem>> -> memref<5000xi32, #tpu.memory_space<vmem>>
      %dma_start3A_8 = tpu.memref_slice %arg2[%mul3A_2] : memref<160000xi32, #tpu.memory_space<hbm>> -> memref<5000xi32, #tpu.memory_space<hbm>>
      %dma_start3A_9 = arith.constant 0 : i32
      %dma_start3A_10 = tpu.memref_slice %arg5[%dma_start3A_9] : memref<5008xi32, #tpu.memory_space<vmem>> -> memref<5000xi32, #tpu.memory_space<vmem>>
      %dma_start3A_11 = tpu.memref_slice %arg2[%mul3A_2] : memref<160000xi32, #tpu.memory_space<hbm>> -> memref<5000xi32, #tpu.memory_space<hbm>>
      tpu.enqueue_dma source(%dma_start3A_11 : memref<5000xi32, #tpu.memory_space<hbm>>) target(%dma_start3A_10 : memref<5000xi32, #tpu.memory_space<vmem>>) target_semaphore(%run_scoped3A : memref<!tpu.dma_semaphore, #tpu.memory_space<semaphore_mem>>)
      %dma_wait3A = arith.constant 0 : i32
      %dma_wait3A_12 = tpu.memref_slice %arg5[%dma_wait3A] : memref<5008xi32, #tpu.memory_space<vmem>> -> memref<5000xi32, #tpu.memory_space<vmem>>
      %dma_wait3A_13 = tpu.memref_slice %arg2[%mul3A_2] : memref<160000xi32, #tpu.memory_space<hbm>> -> memref<5000xi32, #tpu.memory_space<hbm>>
      %dma_wait3A_14 = arith.constant 0 : i32
      %dma_wait3A_15 = tpu.memref_slice %arg5[%dma_wait3A_14] : memref<5008xi32, #tpu.memory_space<vmem>> -> memref<5000xi32, #tpu.memory_space<vmem>>
      %dma_wait3A_16 = tpu.memref_slice %arg2[%mul3A_2] : memref<160000xi32, #tpu.memory_space<hbm>> -> memref<5000xi32, #tpu.memory_space<hbm>>
      tpu.wait_dma2 semaphore(%run_scoped3A : memref<!tpu.dma_semaphore, #tpu.memory_space<semaphore_mem>>) src(%dma_wait3A_16 : memref<5000xi32, #tpu.memory_space<hbm>>) dst(%dma_wait3A_15 : memref<5000xi32, #tpu.memory_space<vmem>>)
      tpu.yield
    }) : () -> ()
    "tpu.region"() ({
      %run_scoped3A = tpu.sem_alloc : memref<!tpu.dma_semaphore, #tpu.memory_space<semaphore_mem>>
      tpu.enqueue_dma source(%arg3 : memref<1000xf32, #tpu.memory_space<hbm>>) target(%arg6 : memref<1000xf32, #tpu.memory_space<vmem>>) target_semaphore(%run_scoped3A : memref<!tpu.dma_semaphore, #tpu.memory_space<semaphore_mem>>)
      tpu.wait_dma2 semaphore(%run_scoped3A : memref<!tpu.dma_semaphore, #tpu.memory_space<semaphore_mem>>) src(%arg3 : memref<1000xf32, #tpu.memory_space<hbm>>) dst(%arg6 : memref<1000xf32, #tpu.memory_space<vmem>>)
      tpu.yield
    }) : () -> ()
    %scan3A = arith.constant 0 : i32
    %scan3A_3 = arith.constant 313 : i32
    %scan3A_4 = arith.addi %scan3A, %scan3A_3 : i32
    %scan3A_5 = arith.constant 1 : i32
    scf.for %scan3A_7 = %scan3A to %scan3A_4 step %scan3A_5  : i32 {
      %mul3A_8 = arith.constant 16 : i32
      %mul3A_9 = arith.muli %scan3A_7, %mul3A_8 : i32
      %get3A = arith.index_cast %mul3A_9 : i32 to index
      %get3A_10 = tpu.vector_load %arg5[%get3A] {strides = array<i32>} : memref<5008xi32, #tpu.memory_space<vmem>>, vector<16xi32>,
      %jit3A = arith.constant 0 : i32
      %jit3A_11 = arith.constant 999 : i32
      %max3A = vector.broadcast %jit3A : i32 to vector<16xi32>
      %max3A_12 = arith.maxsi %max3A, %get3A_10 : vector<16xi32>
      %min3A = vector.broadcast %jit3A_11 : i32 to vector<16xi32>
      %min3A_13 = arith.minsi %min3A, %max3A_12 : vector<16xi32>
      %gather3A = tpu.vector_load_idx %arg6[%min3A_13] : memref<1000xf32, #tpu.memory_space<vmem>>[vector<16xi32>], vector<16xf32>,
      %swap3A = arith.index_cast %mul3A_9 : i32 to index
      %swap3A_14 = tpu.vector_load %arg7[%swap3A] {strides = array<i32>} : memref<5008xf32, #tpu.memory_space<vmem>>, vector<16xf32>,
      tpu.vector_store %arg7[%swap3A], %gather3A {strides = array<i32>} : memref<5008xf32, #tpu.memory_space<vmem>>, vector<16xf32>,
    }
    %scan3A_6 = arith.constant 313 : i32
    "tpu.region"() ({
      %run_scoped3A = tpu.sem_alloc : memref<!tpu.dma_semaphore, #tpu.memory_space<semaphore_mem>>
      %dma_start3A = arith.constant 0 : i32
      %dma_start3A_7 = tpu.memref_slice %arg7[%dma_start3A] : memref<5008xf32, #tpu.memory_space<vmem>> -> memref<5000xf32, #tpu.memory_space<vmem>>
      %dma_start3A_8 = tpu.memref_slice %arg4[%mul3A_2] : memref<160000xf32, #tpu.memory_space<hbm>> -> memref<5000xf32, #tpu.memory_space<hbm>>
      %dma_start3A_9 = tpu.memref_slice %arg4[%mul3A_2] : memref<160000xf32, #tpu.memory_space<hbm>> -> memref<5000xf32, #tpu.memory_space<hbm>>
      %dma_start3A_10 = arith.constant 0 : i32
      %dma_start3A_11 = tpu.memref_slice %arg7[%dma_start3A_10] : memref<5008xf32, #tpu.memory_space<vmem>> -> memref<5000xf32, #tpu.memory_space<vmem>>
      tpu.enqueue_dma source(%dma_start3A_11 : memref<5000xf32, #tpu.memory_space<vmem>>) target(%dma_start3A_9 : memref<5000xf32, #tpu.memory_space<hbm>>) target_semaphore(%run_scoped3A : memref<!tpu.dma_semaphore, #tpu.memory_space<semaphore_mem>>)
      %dma_wait3A = arith.constant 0 : i32
      %dma_wait3A_12 = tpu.memref_slice %arg7[%dma_wait3A] : memref<5008xf32, #tpu.memory_space<vmem>> -> memref<5000xf32, #tpu.memory_space<vmem>>
      %dma_wait3A_13 = tpu.memref_slice %arg4[%mul3A_2] : memref<160000xf32, #tpu.memory_space<hbm>> -> memref<5000xf32, #tpu.memory_space<hbm>>
      %dma_wait3A_14 = tpu.memref_slice %arg4[%mul3A_2] : memref<160000xf32, #tpu.memory_space<hbm>> -> memref<5000xf32, #tpu.memory_space<hbm>>
      %dma_wait3A_15 = arith.constant 0 : i32
      %dma_wait3A_16 = tpu.memref_slice %arg7[%dma_wait3A_15] : memref<5008xf32, #tpu.memory_space<vmem>> -> memref<5000xf32, #tpu.memory_space<vmem>>
      tpu.wait_dma2 semaphore(%run_scoped3A : memref<!tpu.dma_semaphore, #tpu.memory_space<semaphore_mem>>) src(%dma_wait3A_16 : memref<5000xf32, #tpu.memory_space<vmem>>) dst(%dma_wait3A_14 : memref<5000xf32, #tpu.memory_space<hbm>>)
      tpu.yield
    }) : () -> ()
    return
  }
}

module attributes {stable_mosaic.version = 14 : i64} {
  func.func @_mlp_segsum_kernel(%arg0: i32, %arg1: memref<1600x256xf32, #tpu.memory_space<vmem>>, %arg2: memref<1x1x1600xi32, #tpu.memory_space<vmem>>, %arg3: memref<512x256xbf16, #tpu.memory_space<vmem>>, %arg4: memref<1x512xf32, #tpu.memory_space<vmem>>, %arg5: memref<512x512xbf16, #tpu.memory_space<vmem>>, %arg6: memref<1x512xf32, #tpu.memory_space<vmem>>, %arg7: memref<512x512xf32, #tpu.memory_space<vmem>>, %arg8: memref<1x512xf32, #tpu.memory_space<vmem>>, %arg9: memref<1x512xf32, #tpu.memory_space<vmem>>, %arg10: memref<1x1xf32, #tpu.memory_space<vmem>>, %arg11: memref<1x512xf32, #tpu.memory_space<vmem>>, %arg12: memref<1x1xf32, #tpu.memory_space<vmem>>, %arg13: memref<1000x1xf32, #tpu.memory_space<vmem>>, %arg14: memref<1000x1xf32, #tpu.memory_space<vmem>>, %arg15: memref<1000x1xf32, #tpu.memory_space<vmem>>, %arg16: memref<1000x1xf32, #tpu.memory_space<vmem>>, %arg17: memref<1152x512xf32, #tpu.memory_space<vmem>>, %arg18: memref<1152x1xf32, #tpu.memory_space<vmem>>) attributes {dimension_semantics = [#tpu.dimension_semantics<arbitrary>], iteration_bounds = array<i64: 100>, scalar_prefetch = 0 : i64, scratch_operands = 2 : i64, tpu.core_type = #tpu.core_type<tc>, window_params = [{transform_indices = @transform_0, window_bounds = array<i64: 1600, 256>}, {transform_indices = @transform_1, window_bounds = array<i64: 1, 1, 1600>}, {pipeline_mode = #tpu.pipeline_mode<synchronous>, transform_indices = @transform_2, window_bounds = array<i64: 512, 256>}, {pipeline_mode = #tpu.pipeline_mode<synchronous>, transform_indices = @transform_3, window_bounds = array<i64: 1, 512>}, {pipeline_mode = #tpu.pipeline_mode<synchronous>, transform_indices = @transform_4, window_bounds = array<i64: 512, 512>}, {pipeline_mode = #tpu.pipeline_mode<synchronous>, transform_indices = @transform_5, window_bounds = array<i64: 1, 512>}, {pipeline_mode = #tpu.pipeline_mode<synchronous>, transform_indices = @transform_6, window_bounds = array<i64: 512, 512>}, {pipeline_mode = #tpu.pipeline_mode<synchronous>, transform_indices = @transform_7, window_bounds = array<i64: 1, 512>}, {pipeline_mode = #tpu.pipeline_mode<synchronous>, transform_indices = @transform_8, window_bounds = array<i64: 1, 512>}, {pipeline_mode = #tpu.pipeline_mode<synchronous>, transform_indices = @transform_9, window_bounds = array<i64: 1, 1>}, {pipeline_mode = #tpu.pipeline_mode<synchronous>, transform_indices = @transform_10, window_bounds = array<i64: 1, 512>}, {pipeline_mode = #tpu.pipeline_mode<synchronous>, transform_indices = @transform_11, window_bounds = array<i64: 1, 1>}, {pipeline_mode = #tpu.pipeline_mode<synchronous>, transform_indices = @transform_12, window_bounds = array<i64: 1000, 1>}, {pipeline_mode = #tpu.pipeline_mode<synchronous>, transform_indices = @transform_13, window_bounds = array<i64: 1000, 1>}, {pipeline_mode = #tpu.pipeline_mode<synchronous>, transform_indices = @transform_14, window_bounds = array<i64: 1000, 1>}, {pipeline_mode = #tpu.pipeline_mode<synchronous>, transform_indices = @transform_15, window_bounds = array<i64: 1000, 1>}]} {
    %get3A = arith.constant 0 : index
    %get3A_0 = arith.constant 0 : index
    %get3A_1 = vector.load %arg1[%get3A, %get3A_0] : memref<1600x256xf32, #tpu.memory_space<vmem>>, vector<1600x256xf32>
    %convert_element_type3A = arith.truncf %get3A_1 : vector<1600x256xf32> to vector<1600x256xbf16>
    %get3A_2 = arith.constant 0 : index
    %get3A_3 = arith.constant 0 : index
    %get3A_4 = vector.load %arg3[%get3A_2, %get3A_3] : memref<512x256xbf16, #tpu.memory_space<vmem>>, vector<512x256xbf16>
    %dot_general3A = arith.constant dense<0.000000e+00> : vector<1600x512xf32>
    %dot_general3A_5 = tpu.matmul %convert_element_type3A, %get3A_4, %dot_general3A {dimension_numbers = #tpu.dot_dimension_numbers<[1], [1], [0], [0], [0, 0, 1, 0], [], []>, transpose_lhs_hint = false} : vector<1600x256xbf16>, vector<512x256xbf16>, vector<1600x512xf32> -> vector<1600x512xf32>
    %get3A_6 = arith.constant 0 : index
    %get3A_7 = arith.constant 0 : index
    %get3A_8 = vector.load %arg4[%get3A_6, %get3A_7] : memref<1x512xf32, #tpu.memory_space<vmem>>, vector<1x512xf32>
    %add3A = vector.broadcast %get3A_8 : vector<1x512xf32> to vector<1600x512xf32>
    %add3A_9 = arith.addf %dot_general3A_5, %add3A : vector<1600x512xf32>
    %tanh3A = math.tanh %add3A_9 : vector<1600x512xf32>
    %add3A_10 = arith.constant 1.000000e+00 : f32
    %add3A_11 = vector.broadcast %add3A_10 : f32 to vector<1600x512xf32>
    %add3A_12 = arith.addf %tanh3A, %add3A_11 : vector<1600x512xf32>
    %mul3A = arith.mulf %add3A_9, %add3A_12 : vector<1600x512xf32>
    %convert_element_type3A_13 = arith.truncf %mul3A : vector<1600x512xf32> to vector<1600x512xbf16>
    %get3A_14 = arith.constant 0 : index
    %get3A_15 = arith.constant 0 : index
    %get3A_16 = vector.load %arg5[%get3A_14, %get3A_15] : memref<512x512xbf16, #tpu.memory_space<vmem>>, vector<512x512xbf16>
    %dot_general3A_17 = arith.constant dense<0.000000e+00> : vector<1600x512xf32>
    %dot_general3A_18 = tpu.matmul %convert_element_type3A_13, %get3A_16, %dot_general3A_17 {dimension_numbers = #tpu.dot_dimension_numbers<[1], [1], [0], [0], [0, 0, 1, 0], [], []>, transpose_lhs_hint = false} : vector<1600x512xbf16>, vector<512x512xbf16>, vector<1600x512xf32> -> vector<1600x512xf32>
    %get3A_19 = arith.constant 0 : index
    %get3A_20 = arith.constant 0 : index
    %get3A_21 = vector.load %arg6[%get3A_19, %get3A_20] : memref<1x512xf32, #tpu.memory_space<vmem>>, vector<1x512xf32>
    %add3A_22 = vector.broadcast %get3A_21 : vector<1x512xf32> to vector<1600x512xf32>
    %add3A_23 = arith.addf %dot_general3A_18, %add3A_22 : vector<1600x512xf32>
    %tanh3A_24 = math.tanh %add3A_23 : vector<1600x512xf32>
    %add3A_25 = arith.constant 1.000000e+00 : f32
    %add3A_26 = vector.broadcast %add3A_25 : f32 to vector<1600x512xf32>
    %add3A_27 = arith.addf %tanh3A_24, %add3A_26 : vector<1600x512xf32>
    %mul3A_28 = arith.mulf %add3A_23, %add3A_27 : vector<1600x512xf32>
    %convert_element_type3A_29 = arith.truncf %mul3A_28 : vector<1600x512xf32> to vector<1600x512xbf16>
    %eq3A = arith.constant 0 : i32
    %eq3A_30 = arith.cmpi eq, %arg0, %eq3A : i32
    %convert_element_type3A_31 = arith.extui %eq3A_30 : i1 to i32
    %cond3A = arith.constant 0 : i32
    %cond3A_32 = arith.cmpi ne, %convert_element_type3A_31, %cond3A : i32
    scf.if %cond3A_32 {
      %broadcast_in_dim3A = arith.constant 0.000000e+00 : f32
      %broadcast_in_dim3A_98 = vector.broadcast %broadcast_in_dim3A : f32 to vector<1152x512xf32>
      %swap3A = arith.constant 0 : index
      %swap3A_99 = arith.constant 0 : index
      %swap3A_100 = vector.load %arg17[%swap3A, %swap3A_99] : memref<1152x512xf32, #tpu.memory_space<vmem>>, vector<1152x512xf32>
      tpu.vector_store %arg17[%swap3A, %swap3A_99], %broadcast_in_dim3A_98 {strides = array<i32>} : memref<1152x512xf32, #tpu.memory_space<vmem>>, vector<1152x512xf32>,
      %broadcast_in_dim3A_101 = arith.constant 0.000000e+00 : f32
      %broadcast_in_dim3A_102 = vector.broadcast %broadcast_in_dim3A_101 : f32 to vector<1152x1xf32>
      %swap3A_103 = arith.constant 0 : index
      %swap3A_104 = arith.constant 0 : index
      %swap3A_105 = vector.load %arg18[%swap3A_103, %swap3A_104] : memref<1152x1xf32, #tpu.memory_space<vmem>>, vector<1152x1xf32>
      tpu.vector_store %arg18[%swap3A_103, %swap3A_104], %broadcast_in_dim3A_102 {strides = array<i32>} : memref<1152x1xf32, #tpu.memory_space<vmem>>, vector<1152x1xf32>,
    } else {
    }
    %get3A_33 = arith.constant 0 : index
    %get3A_34 = arith.constant 0 : index
    %get3A_35 = arith.constant 0 : index
    %get3A_36 = vector.load %arg2[%get3A_33, %get3A_34, %get3A_35] : memref<1x1x1600xi32, #tpu.memory_space<vmem>>, vector<1x1x1600xi32>
    %get3A_37 = vector.shape_cast %get3A_36 : vector<1x1x1600xi32> to vector<1x1600xi32>
    %slice3A = vector.extract_strided_slice %get3A_37 {offsets = [0, 0], sizes = [1, 1], strides = [1, 1]} : vector<1x1600xi32> to vector<1x1xi32>
    %squeeze3A = vector.extract %slice3A[0, 0] : i32 from vector<1x1xi32>
    %jit3A = arith.constant 8 : i32
    %div3A = arith.divsi %squeeze3A, %jit3A : i32
    %sign3A = arith.constant 0 : i32
    %sign3A_38 = arith.cmpi sgt, %squeeze3A, %sign3A : i32
    %sign3A_39 = arith.extui %sign3A_38 : i1 to i32
    %sign3A_40 = arith.constant 0 : i32
    %sign3A_41 = arith.cmpi slt, %squeeze3A, %sign3A_40 : i32
    %sign3A_42 = arith.extui %sign3A_41 : i1 to i32
    %sign3A_43 = arith.subi %sign3A_39, %sign3A_42 : i32
    %sign3A_44 = arith.constant 0 : i32
    %sign3A_45 = arith.cmpi sgt, %jit3A, %sign3A_44 : i32
    %sign3A_46 = arith.extui %sign3A_45 : i1 to i32
    %sign3A_47 = arith.constant 0 : i32
    %sign3A_48 = arith.cmpi slt, %jit3A, %sign3A_47 : i32
    %sign3A_49 = arith.extui %sign3A_48 : i1 to i32
    %sign3A_50 = arith.subi %sign3A_46, %sign3A_49 : i32
    %ne3A = arith.cmpi ne, %sign3A_43, %sign3A_50 : i32
    %rem3A = arith.remsi %squeeze3A, %jit3A : i32
    %ne3A_51 = arith.constant 0 : i32
    %ne3A_52 = arith.cmpi ne, %rem3A, %ne3A_51 : i32
    %and3A = arith.andi %ne3A, %ne3A_52 : i1
    %sub3A = arith.constant 1 : i32
    %sub3A_53 = arith.subi %div3A, %sub3A : i32
    %select_n3A = arith.select %and3A, %sub3A_53, %div3A : i32
    %mul3A_54 = arith.constant 8 : i32
    %mul3A_55 = arith.muli %select_n3A, %mul3A_54 : i32
    %slice3A_56 = vector.extract_strided_slice %get3A_37 {offsets = [0, 1599], sizes = [1, 1], strides = [1, 1]} : vector<1x1600xi32> to vector<1x1xi32>
    %squeeze3A_57 = vector.extract %slice3A_56[0, 0] : i32 from vector<1x1xi32>
    %sub3A_58 = arith.subi %squeeze3A_57, %mul3A_55 : i32
    %jit3A_59 = arith.constant 128 : i32
    %div3A_60 = arith.divsi %sub3A_58, %jit3A_59 : i32
    %sign3A_61 = arith.constant 0 : i32
    %sign3A_62 = arith.cmpi sgt, %sub3A_58, %sign3A_61 : i32
    %sign3A_63 = arith.extui %sign3A_62 : i1 to i32
    %sign3A_64 = arith.constant 0 : i32
    %sign3A_65 = arith.cmpi slt, %sub3A_58, %sign3A_64 : i32
    %sign3A_66 = arith.extui %sign3A_65 : i1 to i32
    %sign3A_67 = arith.subi %sign3A_63, %sign3A_66 : i32
    %sign3A_68 = arith.constant 0 : i32
    %sign3A_69 = arith.cmpi sgt, %jit3A_59, %sign3A_68 : i32
    %sign3A_70 = arith.extui %sign3A_69 : i1 to i32
    %sign3A_71 = arith.constant 0 : i32
    %sign3A_72 = arith.cmpi slt, %jit3A_59, %sign3A_71 : i32
    %sign3A_73 = arith.extui %sign3A_72 : i1 to i32
    %sign3A_74 = arith.subi %sign3A_70, %sign3A_73 : i32
    %ne3A_75 = arith.cmpi ne, %sign3A_67, %sign3A_74 : i32
    %rem3A_76 = arith.remsi %sub3A_58, %jit3A_59 : i32
    %ne3A_77 = arith.constant 0 : i32
    %ne3A_78 = arith.cmpi ne, %rem3A_76, %ne3A_77 : i32
    %and3A_79 = arith.andi %ne3A_75, %ne3A_78 : i1
    %sub3A_80 = arith.constant 1 : i32
    %sub3A_81 = arith.subi %div3A_60, %sub3A_80 : i32
    %select_n3A_82 = arith.select %and3A_79, %sub3A_81, %div3A_60 : i32
    %add3A_83 = arith.constant 1 : i32
    %add3A_84 = arith.addi %select_n3A_82, %add3A_83 : i32
    %while3A = arith.constant 0 : i32
    %while3A_85 = arith.subi %add3A_84, %while3A : i32
    %while3A_86 = arith.addi %while3A, %while3A_85 : i32
    %while3A_87 = arith.constant 1 : i32
    %while3A_88 = arith.divsi %while3A_85, %while3A_87 : i32
    %while3A_89 = arith.muli %while3A_88, %while3A_87 : i32
    %while3A_90 = arith.addi %while3A, %while3A_89 : i32
    %while3A_91 = arith.constant 1 : i32
    scf.for %while3A_98 = %while3A to %while3A_90 step %while3A_91  : i32 {
      %mul3A_99 = arith.constant 128 : i32
      %mul3A_100 = arith.muli %while3A_98, %mul3A_99 : i32
      %add3A_101 = arith.addi %mul3A_55, %mul3A_100 : i32
      %iota3A = tpu.iota {dimensions = array<i32: 0>} : vector<128x1600xi32>
      %add3A_102 = vector.broadcast %add3A_101 : i32 to vector<128x1600xi32>
      %add3A_103 = arith.addi %add3A_102, %iota3A : vector<128x1600xi32>
      %eq3A_104 = vector.broadcast %get3A_37 : vector<1x1600xi32> to vector<128x1600xi32>
      %eq3A_105 = arith.cmpi eq, %add3A_103, %eq3A_104 : vector<128x1600xi32>
      %convert_element_type3A_106 = arith.extui %eq3A_105 : vector<128x1600xi1> to vector<128x1600xi32>
      %convert_element_type3A_107 = arith.sitofp %convert_element_type3A_106 : vector<128x1600xi32> to vector<128x1600xf32>
      %convert_element_type3A_108 = arith.truncf %convert_element_type3A_107 : vector<128x1600xf32> to vector<128x1600xbf16>
      %dot_general3A_109 = arith.constant dense<0.000000e+00> : vector<128x512xf32>
      %dot_general3A_110 = tpu.matmul %convert_element_type3A_108, %convert_element_type3A_29, %dot_general3A_109 {dimension_numbers = #tpu.dot_dimension_numbers<[1], [0], [0], [1], [0, 0, 1, 1], [], []>, transpose_lhs_hint = false} : vector<128x1600xbf16>, vector<1600x512xbf16>, vector<128x512xf32> -> vector<128x512xf32>
      %convert_element_type3A_111 = arith.extf %convert_element_type3A_108 : vector<128x1600xbf16> to vector<128x1600xf32>
      %reduce_sum3A = arith.constant dense<0.000000e+00> : vector<128xf32>
      %reduce_sum3A_112 = vector.multi_reduction <add>, %convert_element_type3A_111, %reduce_sum3A [1] : vector<128x1600xf32> to vector<128xf32>
      %broadcast_in_dim3A = vector.shape_cast %reduce_sum3A_112 : vector<128xf32> to vector<128x1xf32>
      %get3A_113 = arith.index_cast %add3A_101 : i32 to index
      %get3A_114 = arith.constant 0 : index
      %get3A_115 = vector.load %arg17[%get3A_113, %get3A_114] : memref<1152x512xf32, #tpu.memory_space<vmem>>, vector<128x512xf32>
      %add3A_116 = arith.addf %get3A_115, %dot_general3A_110 : vector<128x512xf32>
      %swap3A = arith.index_cast %add3A_101 : i32 to index
      %swap3A_117 = arith.constant 0 : index
      %swap3A_118 = vector.load %arg17[%swap3A, %swap3A_117] : memref<1152x512xf32, #tpu.memory_space<vmem>>, vector<128x512xf32>
      tpu.vector_store %arg17[%swap3A, %swap3A_117], %add3A_116 {strides = array<i32>} : memref<1152x512xf32, #tpu.memory_space<vmem>>, vector<128x512xf32>,
      %get3A_119 = arith.index_cast %add3A_101 : i32 to index
      %get3A_120 = arith.constant 0 : index
      %get3A_121 = vector.load %arg18[%get3A_119, %get3A_120] : memref<1152x1xf32, #tpu.memory_space<vmem>>, vector<128x1xf32>
      %add3A_122 = arith.addf %get3A_121, %broadcast_in_dim3A : vector<128x1xf32>
      %swap3A_123 = arith.index_cast %add3A_101 : i32 to index
      %swap3A_124 = arith.constant 0 : index
      %swap3A_125 = vector.load %arg18[%swap3A_123, %swap3A_124] : memref<1152x1xf32, #tpu.memory_space<vmem>>, vector<128x1xf32>
      tpu.vector_store %arg18[%swap3A_123, %swap3A_124], %add3A_122 {strides = array<i32>} : memref<1152x1xf32, #tpu.memory_space<vmem>>, vector<128x1xf32>,
    }
    %while3A_92 = arith.constant 1 : i32
    scf.for %while3A_98 = %while3A_90 to %while3A_86 step %while3A_92  : i32 {
      %mul3A_99 = arith.constant 128 : i32
      %mul3A_100 = arith.muli %while3A_98, %mul3A_99 : i32
      %add3A_101 = arith.addi %mul3A_55, %mul3A_100 : i32
      %iota3A = tpu.iota {dimensions = array<i32: 0>} : vector<128x1600xi32>
      %add3A_102 = vector.broadcast %add3A_101 : i32 to vector<128x1600xi32>
      %add3A_103 = arith.addi %add3A_102, %iota3A : vector<128x1600xi32>
      %eq3A_104 = vector.broadcast %get3A_37 : vector<1x1600xi32> to vector<128x1600xi32>
      %eq3A_105 = arith.cmpi eq, %add3A_103, %eq3A_104 : vector<128x1600xi32>
      %convert_element_type3A_106 = arith.extui %eq3A_105 : vector<128x1600xi1> to vector<128x1600xi32>
      %convert_element_type3A_107 = arith.sitofp %convert_element_type3A_106 : vector<128x1600xi32> to vector<128x1600xf32>
      %convert_element_type3A_108 = arith.truncf %convert_element_type3A_107 : vector<128x1600xf32> to vector<128x1600xbf16>
      %dot_general3A_109 = arith.constant dense<0.000000e+00> : vector<128x512xf32>
      %dot_general3A_110 = tpu.matmul %convert_element_type3A_108, %convert_element_type3A_29, %dot_general3A_109 {dimension_numbers = #tpu.dot_dimension_numbers<[1], [0], [0], [1], [0, 0, 1, 1], [], []>, transpose_lhs_hint = false} : vector<128x1600xbf16>, vector<1600x512xbf16>, vector<128x512xf32> -> vector<128x512xf32>
      %convert_element_type3A_111 = arith.extf %convert_element_type3A_108 : vector<128x1600xbf16> to vector<128x1600xf32>
      %reduce_sum3A = arith.constant dense<0.000000e+00> : vector<128xf32>
      %reduce_sum3A_112 = vector.multi_reduction <add>, %convert_element_type3A_111, %reduce_sum3A [1] : vector<128x1600xf32> to vector<128xf32>
      %broadcast_in_dim3A = vector.shape_cast %reduce_sum3A_112 : vector<128xf32> to vector<128x1xf32>
      %get3A_113 = arith.index_cast %add3A_101 : i32 to index
      %get3A_114 = arith.constant 0 : index
      %get3A_115 = vector.load %arg17[%get3A_113, %get3A_114] : memref<1152x512xf32, #tpu.memory_space<vmem>>, vector<128x512xf32>
      %add3A_116 = arith.addf %get3A_115, %dot_general3A_110 : vector<128x512xf32>
      %swap3A = arith.index_cast %add3A_101 : i32 to index
      %swap3A_117 = arith.constant 0 : index
      %swap3A_118 = vector.load %arg17[%swap3A, %swap3A_117] : memref<1152x512xf32, #tpu.memory_space<vmem>>, vector<128x512xf32>
      tpu.vector_store %arg17[%swap3A, %swap3A_117], %add3A_116 {strides = array<i32>} : memref<1152x512xf32, #tpu.memory_space<vmem>>, vector<128x512xf32>,
      %get3A_119 = arith.index_cast %add3A_101 : i32 to index
      %get3A_120 = arith.constant 0 : index
      %get3A_121 = vector.load %arg18[%get3A_119, %get3A_120] : memref<1152x1xf32, #tpu.memory_space<vmem>>, vector<128x1xf32>
      %add3A_122 = arith.addf %get3A_121, %broadcast_in_dim3A : vector<128x1xf32>
      %swap3A_123 = arith.index_cast %add3A_101 : i32 to index
      %swap3A_124 = arith.constant 0 : index
      %swap3A_125 = vector.load %arg18[%swap3A_123, %swap3A_124] : memref<1152x1xf32, #tpu.memory_space<vmem>>, vector<128x1xf32>
      tpu.vector_store %arg18[%swap3A_123, %swap3A_124], %add3A_122 {strides = array<i32>} : memref<1152x1xf32, #tpu.memory_space<vmem>>, vector<128x1xf32>,
    }
    %eq3A_93 = arith.constant 99 : i32
    %eq3A_94 = arith.cmpi eq, %arg0, %eq3A_93 : i32
    %convert_element_type3A_95 = arith.extui %eq3A_94 : i1 to i32
    %cond3A_96 = arith.constant 0 : i32
    %cond3A_97 = arith.cmpi ne, %convert_element_type3A_95, %cond3A_96 : i32
    scf.if %cond3A_97 {
      %get3A_98 = arith.constant 0 : index
      %get3A_99 = arith.constant 0 : index
      %get3A_100 = vector.load %arg17[%get3A_98, %get3A_99] : memref<1152x512xf32, #tpu.memory_space<vmem>>, vector<1000x512xf32>
      %get3A_101 = arith.constant 0 : index
      %get3A_102 = arith.constant 0 : index
      %get3A_103 = vector.load %arg18[%get3A_101, %get3A_102] : memref<1152x1xf32, #tpu.memory_space<vmem>>, vector<1000x1xf32>
      %div3A_104 = vector.broadcast %get3A_103 : vector<1000x1xf32> to vector<1000x512xf32>
      %div3A_105 = arith.divf %get3A_100, %div3A_104 : vector<1000x512xf32>
      %get3A_106 = arith.constant 0 : index
      %get3A_107 = arith.constant 0 : index
      %get3A_108 = vector.load %arg7[%get3A_106, %get3A_107] : memref<512x512xf32, #tpu.memory_space<vmem>>, vector<512x512xf32>
      %dot_general3A_109 = arith.constant dense<0.000000e+00> : vector<1000x512xf32>
      %dot_general3A_110 = tpu.matmul %div3A_105, %get3A_108, %dot_general3A_109 {dimension_numbers = #tpu.dot_dimension_numbers<[1], [1], [0], [0], [0, 0, 1, 0], [], []>, transpose_lhs_hint = false} : vector<1000x512xf32>, vector<512x512xf32>, vector<1000x512xf32> -> vector<1000x512xf32>
      %get3A_111 = arith.constant 0 : index
      %get3A_112 = arith.constant 0 : index
      %get3A_113 = vector.load %arg8[%get3A_111, %get3A_112] : memref<1x512xf32, #tpu.memory_space<vmem>>, vector<1x512xf32>
      %add3A_114 = vector.broadcast %get3A_113 : vector<1x512xf32> to vector<1000x512xf32>
      %add3A_115 = arith.addf %dot_general3A_110, %add3A_114 : vector<1000x512xf32>
      %mul3A_116 = arith.constant 5.000000e-01 : f32
      %mul3A_117 = vector.broadcast %mul3A_116 : f32 to vector<1000x512xf32>
      %mul3A_118 = arith.mulf %mul3A_117, %add3A_115 : vector<1000x512xf32>
      %tanh3A_119 = math.tanh %mul3A_118 : vector<1000x512xf32>
      %mul3A_120 = arith.constant 5.000000e-01 : f32
      %mul3A_121 = vector.broadcast %mul3A_120 : f32 to vector<1000x512xf32>
      %mul3A_122 = arith.mulf %mul3A_121, %tanh3A_119 : vector<1000x512xf32>
      %add3A_123 = arith.constant 5.000000e-01 : f32
      %add3A_124 = vector.broadcast %add3A_123 : f32 to vector<1000x512xf32>
      %add3A_125 = arith.addf %mul3A_122, %add3A_124 : vector<1000x512xf32>
      %mul3A_126 = arith.mulf %add3A_115, %add3A_125 : vector<1000x512xf32>
      %get3A_127 = arith.constant 0 : index
      %get3A_128 = arith.constant 0 : index
      %get3A_129 = vector.load %arg9[%get3A_127, %get3A_128] : memref<1x512xf32, #tpu.memory_space<vmem>>, vector<1x512xf32>
      %mul3A_130 = vector.broadcast %get3A_129 : vector<1x512xf32> to vector<1000x512xf32>
      %mul3A_131 = arith.mulf %mul3A_126, %mul3A_130 : vector<1000x512xf32>
      %reduce_sum3A = arith.constant dense<0.000000e+00> : vector<1000xf32>
      %reduce_sum3A_132 = vector.multi_reduction <add>, %mul3A_131, %reduce_sum3A [1] : vector<1000x512xf32> to vector<1000xf32>
      %broadcast_in_dim3A = vector.shape_cast %reduce_sum3A_132 : vector<1000xf32> to vector<1000x1xf32>
      %get3A_133 = arith.constant 0 : index
      %get3A_134 = arith.constant 0 : index
      %get3A_135 = vector.load %arg10[%get3A_133, %get3A_134] : memref<1x1xf32, #tpu.memory_space<vmem>>, vector<1x1xf32>
      %add3A_136 = vector.broadcast %get3A_135 : vector<1x1xf32> to vector<1000x1xf32>
      %add3A_137 = arith.addf %broadcast_in_dim3A, %add3A_136 : vector<1000x1xf32>
      %get3A_138 = arith.constant 0 : index
      %get3A_139 = arith.constant 0 : index
      %get3A_140 = vector.load %arg11[%get3A_138, %get3A_139] : memref<1x512xf32, #tpu.memory_space<vmem>>, vector<1x512xf32>
      %mul3A_141 = vector.broadcast %get3A_140 : vector<1x512xf32> to vector<1000x512xf32>
      %mul3A_142 = arith.mulf %mul3A_126, %mul3A_141 : vector<1000x512xf32>
      %reduce_sum3A_143 = arith.constant dense<0.000000e+00> : vector<1000xf32>
      %reduce_sum3A_144 = vector.multi_reduction <add>, %mul3A_142, %reduce_sum3A_143 [1] : vector<1000x512xf32> to vector<1000xf32>
      %broadcast_in_dim3A_145 = vector.shape_cast %reduce_sum3A_144 : vector<1000xf32> to vector<1000x1xf32>
      %get3A_146 = arith.constant 0 : index
      %get3A_147 = arith.constant 0 : index
      %get3A_148 = vector.load %arg12[%get3A_146, %get3A_147] : memref<1x1xf32, #tpu.memory_space<vmem>>, vector<1x1xf32>
      %add3A_149 = vector.broadcast %get3A_148 : vector<1x1xf32> to vector<1000x1xf32>
      %add3A_150 = arith.addf %broadcast_in_dim3A_145, %add3A_149 : vector<1000x1xf32>
      %jit3A_151 = arith.constant -1.000000e+01 : f32
      %jit3A_152 = arith.constant 4.000000e+00 : f32
      %max3A = vector.broadcast %jit3A_151 : f32 to vector<1000x1xf32>
      %max3A_153 = arith.maximumf %max3A, %add3A_150 : vector<1000x1xf32>
      %min3A = vector.broadcast %jit3A_152 : f32 to vector<1000x1xf32>
      %min3A_154 = arith.minimumf %min3A, %max3A_153 : vector<1000x1xf32>
      %mul3A_155 = arith.constant 5.000000e-01 : f32
      %mul3A_156 = vector.broadcast %mul3A_155 : f32 to vector<1000x1xf32>
      %mul3A_157 = arith.mulf %mul3A_156, %min3A_154 : vector<1000x1xf32>
      %exp3A = math.exp %mul3A_157 : vector<1000x1xf32>
      %swap3A = arith.constant 0 : index
      %swap3A_158 = arith.constant 0 : index
      %swap3A_159 = vector.load %arg14[%swap3A, %swap3A_158] : memref<1000x1xf32, #tpu.memory_space<vmem>>, vector<1000x1xf32>
      tpu.vector_store %arg14[%swap3A, %swap3A_158], %add3A_137 {strides = array<i32>} : memref<1000x1xf32, #tpu.memory_space<vmem>>, vector<1000x1xf32>,
      %swap3A_160 = arith.constant 0 : index
      %swap3A_161 = arith.constant 0 : index
      %swap3A_162 = vector.load %arg15[%swap3A_160, %swap3A_161] : memref<1000x1xf32, #tpu.memory_space<vmem>>, vector<1000x1xf32>
      tpu.vector_store %arg15[%swap3A_160, %swap3A_161], %min3A_154 {strides = array<i32>} : memref<1000x1xf32, #tpu.memory_space<vmem>>, vector<1000x1xf32>,
      %get3A_163 = arith.constant 0 : index
      %get3A_164 = arith.constant 0 : index
      %get3A_165 = vector.load %arg13[%get3A_163, %get3A_164] : memref<1000x1xf32, #tpu.memory_space<vmem>>, vector<1000x1xf32>
      %mul3A_166 = arith.mulf %exp3A, %get3A_165 : vector<1000x1xf32>
      %add3A_167 = arith.addf %add3A_137, %mul3A_166 : vector<1000x1xf32>
      %exp3A_168 = math.exp %add3A_167 : vector<1000x1xf32>
      %swap3A_169 = arith.constant 0 : index
      %swap3A_170 = arith.constant 0 : index
      %swap3A_171 = vector.load %arg16[%swap3A_169, %swap3A_170] : memref<1000x1xf32, #tpu.memory_space<vmem>>, vector<1000x1xf32>
      tpu.vector_store %arg16[%swap3A_169, %swap3A_170], %exp3A_168 {strides = array<i32>} : memref<1000x1xf32, #tpu.memory_space<vmem>>, vector<1000x1xf32>,
    } else {
    }
    return
  }
  func.func @transform_0(%arg0: i32) -> (i32, i32) {
    %c0_i32 = arith.constant 0 : i32
    %c0_i32_0 = arith.constant 0 : i32
    return %arg0, %c0_i32 : i32, i32
  }
  func.func @transform_1(%arg0: i32) -> (i32, i32, i32) {
    %c0_i32 = arith.constant 0 : i32
    %c0_i32_0 = arith.constant 0 : i32
    %c0_i32_1 = arith.constant 0 : i32
    return %arg0, %c0_i32, %c0_i32_0 : i32, i32, i32
  }
  func.func @transform_2(%arg0: i32) -> (i32, i32) {
    %c0_i32 = arith.constant 0 : i32
    %c0_i32_0 = arith.constant 0 : i32
    %c0_i32_1 = arith.constant 0 : i32
    return %c0_i32, %c0_i32_0 : i32, i32
  }
  func.func @transform_3(%arg0: i32) -> (i32, i32) {
    %c0_i32 = arith.constant 0 : i32
    %c0_i32_0 = arith.constant 0 : i32
    %c0_i32_1 = arith.constant 0 : i32
    return %c0_i32, %c0_i32_0 : i32, i32
  }
  func.func @transform_4(%arg0: i32) -> (i32, i32) {
    %c0_i32 = arith.constant 0 : i32
    %c0_i32_0 = arith.constant 0 : i32
    %c0_i32_1 = arith.constant 0 : i32
    return %c0_i32, %c0_i32_0 : i32, i32
  }
  func.func @transform_5(%arg0: i32) -> (i32, i32) {
    %c0_i32 = arith.constant 0 : i32
    %c0_i32_0 = arith.constant 0 : i32
    %c0_i32_1 = arith.constant 0 : i32
    return %c0_i32, %c0_i32_0 : i32, i32
  }
  func.func @transform_6(%arg0: i32) -> (i32, i32) {
    %c0_i32 = arith.constant 0 : i32
    %c0_i32_0 = arith.constant 0 : i32
    %c0_i32_1 = arith.constant 0 : i32
    return %c0_i32, %c0_i32_0 : i32, i32
  }
  func.func @transform_7(%arg0: i32) -> (i32, i32) {
    %c0_i32 = arith.constant 0 : i32
    %c0_i32_0 = arith.constant 0 : i32
    %c0_i32_1 = arith.constant 0 : i32
    return %c0_i32, %c0_i32_0 : i32, i32
  }
  func.func @transform_8(%arg0: i32) -> (i32, i32) {
    %c0_i32 = arith.constant 0 : i32
    %c0_i32_0 = arith.constant 0 : i32
    %c0_i32_1 = arith.constant 0 : i32
    return %c0_i32, %c0_i32_0 : i32, i32
  }
  func.func @transform_9(%arg0: i32) -> (i32, i32) {
    %c0_i32 = arith.constant 0 : i32
    %c0_i32_0 = arith.constant 0 : i32
    %c0_i32_1 = arith.constant 0 : i32
    return %c0_i32, %c0_i32_0 : i32, i32
  }
  func.func @transform_10(%arg0: i32) -> (i32, i32) {
    %c0_i32 = arith.constant 0 : i32
    %c0_i32_0 = arith.constant 0 : i32
    %c0_i32_1 = arith.constant 0 : i32
    return %c0_i32, %c0_i32_0 : i32, i32
  }
  func.func @transform_11(%arg0: i32) -> (i32, i32) {
    %c0_i32 = arith.constant 0 : i32
    %c0_i32_0 = arith.constant 0 : i32
    %c0_i32_1 = arith.constant 0 : i32
    return %c0_i32, %c0_i32_0 : i32, i32
  }
  func.func @transform_12(%arg0: i32) -> (i32, i32) {
    %c0_i32 = arith.constant 0 : i32
    %c0_i32_0 = arith.constant 0 : i32
    %c0_i32_1 = arith.constant 0 : i32
    return %c0_i32, %c0_i32_0 : i32, i32
  }
  func.func @transform_13(%arg0: i32) -> (i32, i32) {
    %c0_i32 = arith.constant 0 : i32
    %c0_i32_0 = arith.constant 0 : i32
    %c0_i32_1 = arith.constant 0 : i32
    return %c0_i32, %c0_i32_0 : i32, i32
  }
  func.func @transform_14(%arg0: i32) -> (i32, i32) {
    %c0_i32 = arith.constant 0 : i32
    %c0_i32_0 = arith.constant 0 : i32
    %c0_i32_1 = arith.constant 0 : i32
    return %c0_i32, %c0_i32_0 : i32, i32
  }
  func.func @transform_15(%arg0: i32) -> (i32, i32) {
    %c0_i32 = arith.constant 0 : i32
    %c0_i32_0 = arith.constant 0 : i32
    %c0_i32_1 = arith.constant 0 : i32
    return %c0_i32, %c0_i32_0 : i32, i32
  }
}

</mosaic_0001>

<sc_bundles>
// kernel: kernel.4.cloned.1.call-start
scs
__scs_entry_jumppad:
0x0: {  	(pc) =	sbr.rel $0x88, $3  }
0x1: {  	(tag) =	ssettag $0x0;
	lr =	simm.s32 $0x1  }
0x2: {  	[smem:$0x3F95] =	sst lr;
	_ =	strace $0xD0000000  }
0x3: {  	_ = 	snop  }
0x4: {  	_ = 	snop  }
0x5: {  	_ = 	snop  }
0x6: {  	_ = 	snop  }
0x7: {  	_ = 	snop  }
__scs_overlays_trampoline_lowered:
0x8: {  	[smem:$0x3FA4] =	sst s0  }
0x9: {  	[smem:$0x3FA5] =	sst s1  }
0xa: {  	[smem:$0x3FA6] =	sst s2  }
0xb: {  	[smem:$0x3FA7] =	sst s3  }
0xc: {  	[smem:$0x3FA8] =	sst s4  }
0xd: {  	[smem:$0x3FA9] =	sst s5  }
0xe: {  	[smem:$0x3FAA] =	sst s6  }
0xf: {  	[smem:$0x3FAB] =	sst s7  }
0x10: {  	[smem:$0x3FAC] =	sst s8  }
0x11: {  	[smem:$0x3FAD] =	sst s9;
	s0 =	simm.s32 @!p0 $0x0  }
0x12: {  	s1 =	sld [smem:$0x3F93];
	s0 =	simm.s32 @p0 $0x1  }
0x13: {  	[smem:$0x3FAE] =	sst s0;
	s0 =	simm.s32 @!p1 $0x0  }
0x14: {  	s2 =	sld [smem:$0x3F92];
	s0 =	simm.s32 @p1 $0x1  }
0x15: {  	[smem:$0x3FAF] =	sst s0;
	s0 =	simm.s32 @!p2 $0x0  }
0x16: {  	s3 =	sld [smem:$0x3FDB];
	s0 =	simm.s32 @p2 $0x1  }
0x17: {  	s4 =	simm.s32 $0x1BF5;
	[smem:$0x3FB1] =	sst s0  }
0x18: {  	s0 =	sld [smem:$0x3F94];
	_ =	swait.ge [sflag:s4], $0x0  }
0x19: {  	s7 =	sld [smem:$0x3F95]  }
0x1a: {  	s8 =	sadd.s32 $0xFFFFE003, lr  }
0x1b: {  	s9 =	sadd.s32 $0xFFFFFEF7, lr;
	s5 =	simm.s32 $0xFFFFFFFF;
	p2 =	slt.u32 s8, $0xFFFFF086  }
0x1c: {  	p1 =	slt.u32 s9, $0xF7A;
	s5 =	simm.s32 @!p2 $0x0  }
0x1d: {  	s5 =	simm.s32 @p1 $0x1;
	p0 =	seq.s32 s7, s2  }
0x1e: {  	s7 =	smul.u32 @!p0 $0xF7A, s2;
	p2 =	seq.s32 @!p0 s5, $0x0  }
0x1f: {  	s9 =	smul.u32 $0xF7A, s1;
	s8 =	simm.s32 @!p0 $0x1BF5;
	p2 =	por !p2, p0  }
0x20: {  	[sflag:s8] =	ssyncset.s32 @!p0 $0xFFFFF086;
	s6 =	sadd.s32 @!p0 s3, s7;
	s7 =	simm.s32 @!p0 $0x108  }
0x21: {  	s3 =	sadd.s32 s3, s9;
	s6 =	sadd.s32 @!p0 $0x88, s6;
	s7 =	simm.s32 @p2 $0x1082  }
0x22: {  	[simem:s7], [sflag:s8] =	dma.local @!p0 [hbm:s6], $0xF7A  }
0x23: {  	s9 =	sor.u32 $0xD0000000, s2;
	s6 =	simm.s32 $0x108;
	_ =	swait.ge @!p0 [sflag:s8], $0x0  }
0x24: {  	s3 =	sadd.s32 $0x88, s3;
	s6 =	simm.s32 @!p1 $0x1082;
	[sflag:s4] =	ssyncset.s32 $0xFFFFF086  }
0x25: {  	[simem:s6], [sflag:s4] =	dma.local [hbm:s3], $0xF7A  }
0x26: {  	[smem:$0x3F95] =	sst s1;
	(tag) =	ssettag s2;
	_ =	strace s9  }
0x27: {  	s1 =	sld [smem:$0x3FA5]  }
0x28: {  	s2 =	sld [smem:$0x3FA6]  }
0x29: {  	s4 =	sld [smem:$0x3FA8]  }
0x2a: {  	p0 =	seq.s32 s5, $0x0;
	s5 =	sld [smem:$0x3FA9]  }
0x2b: {  	s6 =	sld [smem:$0x3FAA]  }
0x2c: {  	s7 =	sld [smem:$0x3FAB]  }
0x2d: {  	s3 =	simm.s32 $0x108;
	s8 =	sld [smem:$0x3FAC]  }
0x2e: {  	s3 =	simm.s32 @!p0 $0x1082;
	s9 =	sld [smem:$0x3FAD]  }
0x2f: {  	lr =	sadd.s32 s0, s3;
	s0 =	sld [smem:$0x3FA4]  }
0x30: {  	s3 =	sld [smem:$0x3FA7]  }
0x31: {  	[smem:$0x3FB0] =	sst s10  }
0x32: {  	s10 =	sld [smem:$0x3FAE];
	_ =	sdelay $0x3  }
0x33: {  	p0 =	seq.s32 s10, $0x1;
	s10 =	sld [smem:$0x3FB0];
	_ =	sdelay $0x3  }
0x34: {  	[smem:$0x3FB0] =	sst s10  }
0x35: {  	s10 =	sld [smem:$0x3FAF];
	_ =	sdelay $0x3  }
0x36: {  	p1 =	seq.s32 s10, $0x1;
	s10 =	sld [smem:$0x3FB0];
	_ =	sdelay $0x3  }
0x37: {  	[smem:$0x3FB0] =	sst s10  }
0x38: {  	s10 =	sld [smem:$0x3FB1]  }
0x39: {  	_ = 	snop;
	(pc) =	sbr.ind lr, $3  }
0x3a: {  	_ = 	snop  }
0x3b: {  	_ = 	snop  }
0x3c: {  	p2 =	seq.s32 s10, $0x1;
	s10 =	sld [smem:$0x3FB0]  }
0x3d: {  	_ =	shalt  }
0x3e: {  	_ =	shalt  }
0x3f: {  	_ =	shalt  }
0x40: {  	_ =	shalt  }
0x41: {  	_ =	shalt  }
0x42: {  	_ =	shalt  }
0x43: {  	_ =	shalt  }
0x44: {  	_ =	shalt  }
0x45: {  	_ =	shalt  }
0x46: {  	_ =	shalt  }
0x47: {  	_ =	shalt  }
0x48: {  	_ =	shalt  }
0x49: {  	_ =	shalt  }
0x4a: {  	_ =	shalt  }
0x4b: {  	_ =	shalt  }
0x4c: {  	_ =	shalt  }
0x4d: {  	_ =	shalt  }
0x4e: {  	_ =	shalt  }
0x4f: {  	_ =	shalt  }
0x50: {  	_ =	shalt  }
0x51: {  	_ =	shalt  }
0x52: {  	_ =	shalt  }
0x53: {  	_ =	shalt  }
0x54: {  	_ =	shalt  }
0x55: {  	_ =	shalt  }
0x56: {  	_ =	shalt  }
0x57: {  	_ =	shalt  }
0x58: {  	_ =	shalt  }
0x59: {  	_ =	shalt  }
0x5a: {  	_ =	shalt  }
0x5b: {  	_ =	shalt  }
0x5c: {  	_ =	shalt  }
0x5d: {  	_ =	shalt  }
0x5e: {  	_ =	shalt  }
0x5f: {  	_ =	shalt  }
0x60: {  	_ =	shalt  }
0x61: {  	_ =	shalt  }
0x62: {  	_ =	shalt  }
0x63: {  	_ =	shalt  }
0x64: {  	_ =	shalt  }
0x65: {  	_ =	shalt  }
0x66: {  	_ =	shalt  }
0x67: {  	_ =	shalt  }
0x68: {  	_ =	shalt  }
0x69: {  	_ =	shalt  }
0x6a: {  	_ =	shalt  }
0x6b: {  	_ =	shalt  }
0x6c: {  	_ =	shalt  }
0x6d: {  	_ =	shalt  }
0x6e: {  	_ =	shalt  }
0x6f: {  	_ =	shalt  }
0x70: {  	_ =	shalt  }
0x71: {  	_ =	shalt  }
0x72: {  	_ =	shalt  }
0x73: {  	_ =	shalt  }
0x74: {  	_ =	shalt  }
0x75: {  	_ =	shalt  }
0x76: {  	_ =	shalt  }
0x77: {  	_ =	shalt  }
0x78: {  	_ =	shalt  }
0x79: {  	_ =	shalt  }
0x7a: {  	_ =	shalt  }
0x7b: {  	_ =	shalt  }
0x7c: {  	_ =	shalt  }
0x7d: {  	_ =	shalt  }
0x7e: {  	_ =	shalt  }
0x7f: {  	_ =	shalt  }
0x80: {  	_ =	shalt  }
0x81: {  	_ =	shalt  }
0x82: {  	_ =	shalt  }
0x83: {  	_ =	shalt  }
0x84: {  	_ =	shalt  }
0x85: {  	_ =	shalt  }
0x86: {  	_ =	shalt  }
0x87: {  	_ =	shalt  }
.Lfunc_end0:
.L_simem_size_0:
called_computation_lowered:
.L_overlay_start_0:
0x88: {  	s2 =	sld [smem:$0x3FD9]  }
0x89: {  	s3 =	sld [smem:$0x3FFE];
	_ =	sdelay $0x1  }
0x8a: {  	s1 =	srdreg.scid  }
0x8b: {  	s0 =	sand.u32 $0x1, s1  }
0x8c: {  	s14 =	sshll.u32 s0, $0xA;
	s2 =	sadd.s32 s3, s2  }
0x8d: {  	s2 =	sadd.s32 s2, s14  }
0x8e: {  	[smem:$0x3FBC] =	sst s2  }
0x8f: {  	_ = 	snop  }
0x90: {  	s2 =	sld [smem:$0x3FD0];
	_ =	sdelay $0x2  }
0x91: {  	s4 =	simm.s32 $0xA;
	s5 =	simm.s32 $0x10;
	s15 =	sld [smem:$0x3FC8]  }
0x92: {  	[smem:s5], [sflag:s4] =	dma.local [hbm:s2], $0x1  }
0x93: {  	_ =	swait.eq [sflag:s4], $0x1  }
0x94: {  	[sflag:s4] =	ssyncset.done $0x0  }
0x95: {  	[sflag:s4] =	ssyncadd.s32 $0xFFFFFFFF  }
0x96: {  	s16 =	sld [smem:$0x12];
	(tm) =	ssettm $0x1  }
0x97: {  	s17 =	sld [smem:$0x3FFB];
	_ =	sdelay $0x3  }
0x98: {  	_ =	strace s17  }
0x99: {  	s4 =	sld [smem:$0x3FFC];
	_ =	sdelay $0x3  }
0x9a: {  	_ =	strace s4  }
0x9b: {  	s4 =	sld [smem:$0x3FFD];
	_ =	sdelay $0x3  }
0x9c: {  	_ =	strace s4  }
0x9d: {  	_ =	strace $0x8FFFFFFF  }
0x9e: {  	s18 =	sld [smem:$0x3FDB];
	_ =	sdelay $0x1  }
0x9f: {  	s19 =	simm.s32 $_scs_section_size  }
0xa0: {  	s6 =	simm.s32 $_size__tile_overlayer_lowered;
	s7 =	simm.s32 $_tile_overlayer_lowered  }
0xa1: {  	s22 =	simm.s32 $0x1BFF;
	s21 =	sshll.u32 s7, $0x1;
	s4 =	sadd.s32 s19, s18  }
0xa2: {  	s8 =	simm.s32 $0x0;
	s20 =	sshll.u32 s6, $0x1;
	s6 =	sadd.s32 s21, s4  }
0xa3: {  	[timem:s8], [sflag:s22] =	dma.local [hbm:s6], s20  }
0xa4: {  	_ =	swait.ge [sflag:s22], s20  }
0xa5: {  	s5 =	ssub.s32 $0x0, s20;
	[sflag:s22] =	ssyncset.done $0x0  }
0xa6: {  	[sflag:s22] =	ssyncadd.s32 s5;
	_ =	sdelay $0x1  }
0xa7: {  	s23 =	simm.s32 $0x1B8B  }
0xa8: {  	_ =	swait.ge [sflag:s23], $0x1  }
0xa9: {  	[sflag:s23] =	ssyncset.done $0x0  }
0xaa: {  	s25 =	simm.s32 $0x1B8E;
	s24 =	sld [smem:$0x3FFE];
	[sflag:s23] =	ssyncadd.s32 $0xFFFFFFFF  }
0xab: {  	s26 =	simm.s32 $execute0_lowered;
	[smem:$0x3FD2] =	sst s25  }
0xac: {  	s6 =	sshll.u32 s26, $0x1;
	_ =	strace $0x80000046;
	[dreg:$0x1] =	wrdreg $0xFFFFFFFF  }
0xad: {  	s28 =	simm.s32 $_size_execute0_lowered;
	s4 =	sadd.s32 s4, s6;
	[dreg:$0x0] =	wrdreg $0x0  }
0xae: {  	s6 =	sshll.u32 s28, $0x1;
	[dreg:$0x2] =	wrdreg s4  }
0xaf: {  	[dreg:$0x3] =	wrdreg s6  }
0xb0: {  	[dreg:$0x4] =	wrdreg $0xC0  }
0xb1: {  	_ =	task [dreg:s8], $0x5FFFF  }
0xb2: {  	[dreg:$0x1] =	wrdreg $0xFFFFFFFF  }
0xb3: {  	[dreg:$0x0] =	wrdreg $0x60  }
0xb4: {  	[dreg:$0x2] =	wrdreg s15  }
0xb5: {  	[dreg:$0x3] =	wrdreg s16  }
0xb6: {  	[dreg:$0x4] =	wrdreg s24  }
0xb7: {  	[dreg:$0x5] =	wrdreg $0x9  }
0xb8: {  	_ =	task.clear_ibuf [dreg:s8], $0x6FFFF;
	_ =	strace $0x90000046  }
0xb9: {  	s29 =	simm.s32 $0x9;
	_ =	strace $0x80000048  }
0xba: {  	_ =	swait.ge [sflag:s29], $0x1  }
0xbb: {  	[sflag:s29] =	ssyncadd.s32 $0xFFFFFFFF  }
0xbc: {  	_ =	strace $0x90000048  }
0xbd: {  	_ =	sfence  }
0xbe: {  	s30 =	sld [smem:$0x0];
	_ =	sdelay $0x2  }
0xbf: {  	s31 =	sshll.u32 s1, $0xD;
	s1 =	sshrl.u32 s1, $0x2  }
0xc0: {  	s3 =	sand.u32 $0x4000, s31;
	s1 =	sadd.s32 s1, s30  }
0xc1: {  	s0 =	sor.u32 s3, s0;
	s1 =	sshll.u32 s1, $0x11  }
0xc2: {  	s0 =	sor.u32 s1, s0  }
0xc3: {  	s0 =	sadd.s32 $0x8F2B, s0  }
0xc4: {  	[sflag:s0] =	ssyncadd.remote.s32 $0x1  }
0xc5: {  	_ =	sfence.sel $0xFFFF  }
0xc6: {  	[dreg:$0x0] =	wrdreg $0xFFFFFFFF;
	(pc) =	sbr.abs _section_cstart, $3  }
0xc7: {  	[dreg:$0x1] =	wrdreg $0xFFFFFFFF  }
0xc8: {  	_ =	task.clear_ibuf [dreg:s8], $0x2FFFF;
	_ =	strace $0x9FFFFFFF  }
0xc9: {  	(tm) =	ssettm $0x7FFFFFFF  }
tec
execute0_lowered:
.L_overlay_start_1:
0x0: {  	(tag) =	ssettag $0x1  }
0x1: {  	s4 =	rddreg [dreg:$0x0]  }
0x2: {  	s2 =	rddreg [dreg:$0x1];
	s1 =	srdreg.scid  }
0x3: {  	s0 =	stileid.u32;
	s5 =	rddreg [dreg:$0x2]  }
0x4: {  	s9 =	simm.s32 $0x1800;
	s6 =	sand.u32 $0x1, s1;
	s3 =	sshll.u32 s0, $0x1  }
0x5: {  	s10 =	simm.s32 $0x0;
	s7 =	sor.u32 s6, s3;
	s3 =	simm.s32 $0x0  }
0x6: {  	s6 =	ssub.s32 $0x2, s6;
	s7 =	smul.u32 $0x271, s7;
	[smem:$0x7FF] =	sst s3  }
0x7: {  	s1 =	rddreg [dreg:$0x3];
	s8 =	sshrl.u32 s6, $0x1;
	_ =	strace $0x80000047  }
0x8: {  	s6 =	ssub.s32 s6, s8;
	s8 =	simm.s32 $0x1400;
	s4 =	sadd.s32 s4, s7  }
0x9: {  	s5 =	sadd.s32 s5, s7;
	s6 =	smax.u32 s6, $0x1;
	s7 =	simm.s32 $0x1  }
.LBB2_1:
0xa: {  	[tilespmem:s3], [sflag:$0x1] =	stream.linear.gather [hbm4b:s4+s3], $0x1388, $0x38;
	[tilespmem:$0x2C00] =	vst v63  }
0xb: {  	_ =	swait.ge [sflag:s7], $0x1388  }
0xc: {  	[sflag:s7] =	ssyncset.done $0x0  }
0xd: {  	[sflag:s7] =	ssyncadd.s32 $0xFFFFEC78  }
0xe: {  	[tilespmem:s8], [sflag:$0x1] =	stream.linear.gather [hbm4b:s2+s3], $0x400, $0x38;
	[tilespmem:$0x2C00] =	vst v63  }
0xf: {  	_ =	swait.ge [sflag:s7], $0x400  }
0x10: {  	[sflag:s7] =	ssyncset.done $0x0  }
0x11: {  	s12 =	simm.s32 $0x0;
	[sflag:s7] =	ssyncadd.s32 $0xFFFFFC00  }
0x12: {  	v0 =	vld [tilespmem:s12+$0x0];
	_ =	sdelay $0x4  }
0x13: {  	s11 =	simm.s32 $0x10;
	vm0 =	vgt.s32 v0, $0x0  }
0x14: {  	v1 =	vld [tilespmem:s11+$0x0];
	v0 =	vnsel vm0, $0x0, v0  }
0x15: {  	v0 =	vmin.u32 v0, $0x3E7;
	_ =	sdelay $0x3  }
0x16: {  	vm15 =	vgt.s32 v1, $0x0  }
0x17: {  	s13 =	simm.s32 $0x20;
	s14 =	simm.s32 $0xC0;
	v1 =	vnsel vm15, $0x0, v1;
	v0 =	vld.idx.msk [tilespmem:v0+s8+$0x0], $0xffff  }
.LBB2_2:
0x18: {  	p0 =	sne.s32 s14, $0x4E00;
	v2 =	vld [tilespmem:s13+$0x0];
	v1 =	vmin.u32 v1, $0x3E7;
	_ =	sdelay $0x1  }
.Ltmp0:
0x19: {  	(pc) =	sbr.rel @p0 .LBB2_2-.Ltmp0, $4  }
0x1a: {  	_ = 	snop  }
0x1b: {  	[tilespmem:s12+$0x1800] =	vst v0;
	s12 =	smov.u32 s11;
	s11 =	smov.u32 s13  }
0x1c: {  	vm0 =	vgt.s32 v2, $0x0;
	v0 =	vld.idx.msk [tilespmem:v1+s8+$0x0], $0xffff  }
0x1d: {  	s13 =	sshra.s32 s14, $0x2;
	s14 =	sadd.s32 $0x40, s14;
	v1 =	vnsel vm0, $0x0, v2  }
0x1e: {  	v2 =	vld [tilespmem:s13+$0x0]  }
0x1f: {  	v1 =	vmin.u32 v1, $0x3E7;
	_ =	sdelay $0x3  }
0x20: {  	[tilespmem:s12+$0x1800] =	vst v0;
	vm0 =	vgt.s32 v2, $0x0  }
0x21: {  	v0 =	vld.idx.msk [tilespmem:v1+s8+$0x0], $0xffff;
	v63 =	vnsel vm0, $0x0, v2  }
0x22: {  	v1 =	vmin.u32 v63, $0x3E7;
	_ =	sdelay $0x3  }
0x23: {  	[tilespmem:s11+$0x1800] =	vst v0  }
0x24: {  	v0 =	vld.idx.msk [tilespmem:v1+s8+$0x0], $0xffff;
	_ =	sdelay $0x2  }
0x25: {  	s10 =	sadd.s32 $0x1, s10  }
0x26: {  	p0 =	sne.s32 s10, s6  }
.Ltmp1:
0x27: {  	[tilespmem:s13+$0x1800] =	vst v0;
	(pc) =	sbr.rel @p0 .LBB2_1-.Ltmp1, $4  }
0x28: {  	[hbm4b:s5+s3] =	stream.linear.scatter [tilespmem:s9], [sflag:$0x1], $0x1388, $0x38;
	[tilespmem:$0x2C00] =	vst v63  }
0x29: {  	_ =	swait.ge [sflag:s7], $0x1388  }
0x2a: {  	[sflag:s7] =	ssyncset.done $0x0  }
0x2b: {  	[sflag:s7] =	ssyncadd.s32 $0xFFFFEC78  }
0x2c: {  	_ =	sfence.sel $0x180000  }
0x2d: {  	[bflag:$0x0] =	sbarrier.arrive $0xFFFF  }
0x2e: {  	p0 =	sne.s32 s0, $0x0;
	_ =	strace $0x90000047  }
0x2f: {  	s0 =	sadd.s32 @!p0 $0x100000, s1;
	[bflag:$0x2] =	sbarrier.arrive $0xFFFF  }
0x30: {  	[sflag:s0] =	ssyncadd.tile.s32 @!p0 $0x1;
	_ =	shalt  }
.Lfunc_end2:
_tile_overlayer_lowered:
.L_overlay_start_2:
0x31: {  	(tag) =	ssettag $0x2  }
0x32: {  	s0 =	rddreg [dreg:$0x0];
	s2 =	stileid.u32  }
0x33: {  	s1 =	rddreg [dreg:$0x1];
	p0 =	sne.s32 s2, $0x0  }
0x34: {  	s3 =	rddreg [dreg:$0x2];
	[bflag:$0x3] =	sbarrier.arrive $0xFFFF;
	s2 =	simm.s32 @!p0 $0x1C01  }
0x35: {  	[timem:s3], [sflag:s2] =	dma.local @!p0 [hbm:s0], s1  }
0x36: {  	s0 =	simm.s32 @!p0 $0x1  }
0x37: {  	_ =	swait.ge @!p0 [sflag:s0], s1  }
0x38: {  	s1 =	ssub.s32 @!p0 $0x0, s1;
	[sflag:s0] =	ssyncset.done @!p0 $0x0  }
0x39: {  	[sflag:s0] =	ssyncadd.s32 @!p0 s1  }
0x3a: {  	[bflag:$0x3] =	sbarrier.arrive $0xFFFF  }
0x3b: {  	_ =	shalt  }

</sc_bundles>
